<compile_context>
chip_gen: v7x
topology: tpu7x:2x2x1
jax: 0.10.2.dev20260603
libtpu: 0.0.44.dev20260713+nightly
codegen_flags: <defaults>
</compile_context>

<pallas_src>
import jax
import jax.numpy as jnp
from jax.experimental import pallas as pl
from jax.experimental.pallas import tpu as pltpu

M_BLK = 10000


def _matmul_body(x_ref, w_ref, o_ref):
    o_ref[...] = jnp.dot(x_ref[...], w_ref[...],
                         preferred_element_type=jnp.float32)


def _content_matmul(item_content, W):
    M, K = item_content.shape
    N = W.shape[1]
    grid = (M // M_BLK,)
    return pl.pallas_call(
        _matmul_body,
        grid=grid,
        in_specs=[
            pl.BlockSpec((M_BLK, K), lambda i: (i, 0)),
            pl.BlockSpec((K, N), lambda i: (0, 0)),
        ],
        out_specs=pl.BlockSpec((M_BLK, N), lambda i: (i, 0)),
        out_shape=jax.ShapeDtypeStruct((M, N), jnp.float32),
        compiler_params=pltpu.CompilerParams(
            dimension_semantics=("arbitrary",),
            vmem_limit_bytes=110 * 1024 * 1024,
        ),
    )(item_content, W)


from jax import lax
from jax.experimental.pallas import tpu_sc as plsc

NUM_SC_CORES = 2
NUM_SC_SUBCORES = 16
NUM_WORKERS = NUM_SC_CORES * NUM_SC_SUBCORES
CH = 488


def _staged_copy(src, dst, base, nch, bufs, sin, sout):
    def wait_in(b):
        pltpu.make_async_copy(src.at[pl.ds(0, CH)], bufs[b], sin[b]).wait()

    def wait_out(b):
        pltpu.make_async_copy(bufs[b], dst.at[pl.ds(0, CH)], sout[b]).wait()

    def step(i, b):
        @pl.when(i >= 2)
        def _():
            wait_out(b)
        pltpu.async_copy(src.at[pl.ds(base + i * CH, CH)], bufs[b], sin[b])
        wait_in(b)
        pltpu.async_copy(bufs[b], dst.at[pl.ds(base + i * CH, CH)], sout[b])

    def pair(j, carry):
        step(2 * j, 0)
        step(2 * j + 1, 1)
        return carry

    lax.fori_loop(0, nch // 2, pair, 0)
    wait_out(0)
    wait_out(1)


def _sc_copy_body(p_hbm, op_hbm, b0, b1, si0, si1, so0, so1):
    wid = lax.axis_index("s") * NUM_SC_CORES + lax.axis_index("c")
    n = p_hbm.shape[0]
    rows = (n // NUM_WORKERS) // (2 * CH) * (2 * CH)
    tail = n - rows * NUM_WORKERS
    base = wid * rows
    _staged_copy(p_hbm, op_hbm, base, rows // CH, (b0, b1),
                 (si0, si1), (so0, so1))
    if tail:
        @pl.when(wid == NUM_WORKERS - 1)
        def _copy_tail():
            t = rows * NUM_WORKERS
            pltpu.async_copy(p_hbm.at[pl.ds(t, tail)],
                             b0.at[pl.ds(0, tail)], si0).wait()
            pltpu.async_copy(b0.at[pl.ds(0, tail)],
                             op_hbm.at[pl.ds(t, tail)], so0).wait()


def _sc_copy_table(Pr):
    mesh = plsc.VectorSubcoreMesh(core_axis_name="c", subcore_axis_name="s")
    fn = pl.kernel(
        _sc_copy_body,
        out_type=jax.ShapeDtypeStruct(Pr.shape, Pr.dtype),
        mesh=mesh,
        scratch_types=[
            pltpu.VMEM((CH, 128), jnp.float32),
            pltpu.VMEM((CH, 128), jnp.float32),
            pltpu.SemaphoreType.DMA,
            pltpu.SemaphoreType.DMA,
            pltpu.SemaphoreType.DMA,
            pltpu.SemaphoreType.DMA,
        ],
    )
    return fn(Pr)


def kernel(P, Q, PQ2, item_content, W):
    oP = _sc_copy_table(P.reshape(-1, 128)).reshape(P.shape)
    item_emb2 = _content_matmul(item_content, W)
    return (oP, Q, PQ2, item_emb2, W)

# --- scband reference (transcript-rebuilt; emitter-appended) ---
"""Pipeline reference for scband-amr-learner-5222680232354 (READ-ONLY COPY).

The authoritative reference and input builder live on the scoring server;
editing this copy changes nothing except your own understanding.
"""

import jax, jax.numpy as jnp
import numpy as np

USER_NUM = 1000000
ITEM_NUM = 100000
EMB = 64
CONTENT_DIM = 512

def setup_inputs(seed: int = 0) -> dict:
    key = jax.random.key(seed)
    k1, k2, k3, k4, k5 = jax.random.split(key, 5)
    P = jax.random.normal(k1, (USER_NUM, EMB), dtype=jnp.float32) * 0.01
    Q = jax.random.normal(k2, (ITEM_NUM, EMB), dtype=jnp.float32) * 0.01
    PQ2 = jax.random.normal(k3, (USER_NUM, EMB), dtype=jnp.float32) * 0.01
    item_content = jax.random.uniform(k4, (ITEM_NUM, CONTENT_DIM), dtype=jnp.float32)
    W = jax.random.normal(k5, (CONTENT_DIM, EMB), dtype=jnp.float32) * 0.01
    return {"P": P, "Q": Q, "PQ2": PQ2, "item_content": item_content, "W": W}

def reference(P, Q, PQ2, item_content, W):
    # AMR_Learner.forward with cold_object == 'item':
    # user_emb1 = P.weight; item_emb1 = Q.weight
    # user_emb2 = PQ2.weight; item_emb2 = item_content @ W
    user_emb1 = P
    item_emb1 = Q
    user_emb2 = PQ2
    item_emb2 = jnp.dot(item_content, W)
    return (user_emb1, item_emb1, user_emb2, item_emb2, W)

if __name__ == "__main__":
    import jax
    _d = setup_inputs()
    print(jax.jit(kernel)(*tuple(_d.values())))

</pallas_src>

<mosaic_0001>
#map = affine_map<(d0, d1) -> (0, 0)>
module attributes {stable_mosaic.version = 14 : i64} {
  func.func @_sc_copy_body(%arg0: i32, %arg1: i32, %arg2: memref<500000x128xf32, #tpu.memory_space<hbm>>, %arg3: memref<500000x128xf32, #tpu.memory_space<hbm>>, %arg4: memref<488x128xf32, #tpu.memory_space<vmem>>, %arg5: memref<488x128xf32, #tpu.memory_space<vmem>>, %arg6: memref<!tpu.dma_semaphore, #tpu.memory_space<semaphore_mem>>, %arg7: memref<!tpu.dma_semaphore, #tpu.memory_space<semaphore_mem>>, %arg8: memref<!tpu.dma_semaphore, #tpu.memory_space<semaphore_mem>>, %arg9: memref<!tpu.dma_semaphore, #tpu.memory_space<semaphore_mem>>) attributes {dimension_semantics = [#tpu.dimension_semantics<core_parallel>, #tpu.dimension_semantics<subcore_parallel>], iteration_bounds = array<i64: 2, 16>, scalar_prefetch = 0 : i64, scratch_operands = 6 : i64, tpu.core_type = #tpu.core_type<sc_vector_subcore>, window_params = [{transform_indices = #map}, {transform_indices = #map}]} {
    %mul3A = arith.constant 2 : i32
    %mul3A_0 = arith.muli %arg1, %mul3A : i32
    %add3A = arith.addi %mul3A_0, %arg0 : i32
    %mul3A_1 = arith.constant 15616 : i32
    %mul3A_2 = arith.muli %add3A, %mul3A_1 : i32
    %scan3A = arith.constant 0 : i32
    %scan3A_3 = arith.constant 0 : i32
    %scan3A_4 = arith.constant 16 : i32
    %scan3A_5 = arith.addi %scan3A_3, %scan3A_4 : i32
    %scan3A_6 = arith.constant 1 : i32
    scf.for %scan3A_21 = %scan3A_3 to %scan3A_5 step %scan3A_6  : i32 {
      %mul3A_22 = arith.constant 2 : i32
      %mul3A_23 = arith.muli %mul3A_22, %scan3A_21 : i32
      %ge3A = arith.constant 2 : i32
      %ge3A_24 = arith.cmpi sge, %mul3A_23, %ge3A : i32
      %convert_element_type3A_25 = arith.extui %ge3A_24 : i1 to i32
      %cond3A_26 = arith.constant 0 : i32
      %cond3A_27 = arith.cmpi ne, %convert_element_type3A_25, %cond3A_26 : i32
      scf.if %cond3A_27 {
        %dma_wait3A_76 = arith.constant 0 : i32
        %dma_wait3A_77 = arith.constant 0 : i32
        %dma_wait3A_78 = tpu.memref_slice %arg3[%dma_wait3A_76, %dma_wait3A_77] : memref<500000x128xf32, #tpu.memory_space<hbm>> -> memref<488x128xf32, #tpu.memory_space<hbm>>
        %dma_wait3A_79 = arith.constant 0 : i32
        %dma_wait3A_80 = arith.constant 0 : i32
        %dma_wait3A_81 = tpu.memref_slice %arg3[%dma_wait3A_79, %dma_wait3A_80] : memref<500000x128xf32, #tpu.memory_space<hbm>> -> memref<488x128xf32, #tpu.memory_space<hbm>>
        tpu.wait_dma2 semaphore(%arg8 : memref<!tpu.dma_semaphore, #tpu.memory_space<semaphore_mem>>) src(%arg4 : memref<488x128xf32, #tpu.memory_space<vmem>>) dst(%dma_wait3A_81 : memref<488x128xf32, #tpu.memory_space<hbm>>)
      } else {
      }
      %mul3A_28 = arith.constant 488 : i32
      %mul3A_29 = arith.muli %mul3A_23, %mul3A_28 : i32
      %add3A_30 = arith.addi %mul3A_2, %mul3A_29 : i32
      %dma_start3A = arith.constant 0 : i32
      %dma_start3A_31 = tpu.memref_slice %arg2[%add3A_30, %dma_start3A] : memref<500000x128xf32, #tpu.memory_space<hbm>> -> memref<488x128xf32, #tpu.memory_space<hbm>>
      %dma_start3A_32 = arith.constant 0 : i32
      %dma_start3A_33 = tpu.memref_slice %arg2[%add3A_30, %dma_start3A_32] : memref<500000x128xf32, #tpu.memory_space<hbm>> -> memref<488x128xf32, #tpu.memory_space<hbm>>
      tpu.enqueue_dma source(%dma_start3A_33 : memref<488x128xf32, #tpu.memory_space<hbm>>) target(%arg4 : memref<488x128xf32, #tpu.memory_space<vmem>>) target_semaphore(%arg6 : memref<!tpu.dma_semaphore, #tpu.memory_space<semaphore_mem>>)
      %dma_wait3A_34 = arith.constant 0 : i32
      %dma_wait3A_35 = arith.constant 0 : i32
      %dma_wait3A_36 = tpu.memref_slice %arg2[%dma_wait3A_34, %dma_wait3A_35] : memref<500000x128xf32, #tpu.memory_space<hbm>> -> memref<488x128xf32, #tpu.memory_space<hbm>>
      %dma_wait3A_37 = arith.constant 0 : i32
      %dma_wait3A_38 = arith.constant 0 : i32
      %dma_wait3A_39 = tpu.memref_slice %arg2[%dma_wait3A_37, %dma_wait3A_38] : memref<500000x128xf32, #tpu.memory_space<hbm>> -> memref<488x128xf32, #tpu.memory_space<hbm>>
      tpu.wait_dma2 semaphore(%arg6 : memref<!tpu.dma_semaphore, #tpu.memory_space<semaphore_mem>>) src(%dma_wait3A_39 : memref<488x128xf32, #tpu.memory_space<hbm>>) dst(%arg4 : memref<488x128xf32, #tpu.memory_space<vmem>>)
      %mul3A_40 = arith.constant 488 : i32
      %mul3A_41 = arith.muli %mul3A_23, %mul3A_40 : i32
      %add3A_42 = arith.addi %mul3A_2, %mul3A_41 : i32
      %dma_start3A_43 = arith.constant 0 : i32
      %dma_start3A_44 = tpu.memref_slice %arg3[%add3A_42, %dma_start3A_43] : memref<500000x128xf32, #tpu.memory_space<hbm>> -> memref<488x128xf32, #tpu.memory_space<hbm>>
      %dma_start3A_45 = arith.constant 0 : i32
      %dma_start3A_46 = tpu.memref_slice %arg3[%add3A_42, %dma_start3A_45] : memref<500000x128xf32, #tpu.memory_space<hbm>> -> memref<488x128xf32, #tpu.memory_space<hbm>>
      tpu.enqueue_dma source(%arg4 : memref<488x128xf32, #tpu.memory_space<vmem>>) target(%dma_start3A_46 : memref<488x128xf32, #tpu.memory_space<hbm>>) target_semaphore(%arg8 : memref<!tpu.dma_semaphore, #tpu.memory_space<semaphore_mem>>)
      %mul3A_47 = arith.constant 2 : i32
      %mul3A_48 = arith.muli %mul3A_47, %scan3A_21 : i32
      %add3A_49 = arith.constant 1 : i32
      %add3A_50 = arith.addi %mul3A_48, %add3A_49 : i32
      %ge3A_51 = arith.constant 2 : i32
      %ge3A_52 = arith.cmpi sge, %add3A_50, %ge3A_51 : i32
      %convert_element_type3A_53 = arith.extui %ge3A_52 : i1 to i32
      %cond3A_54 = arith.constant 0 : i32
      %cond3A_55 = arith.cmpi ne, %convert_element_type3A_53, %cond3A_54 : i32
      scf.if %cond3A_55 {
        %dma_wait3A_76 = arith.constant 0 : i32
        %dma_wait3A_77 = arith.constant 0 : i32
        %dma_wait3A_78 = tpu.memref_slice %arg3[%dma_wait3A_76, %dma_wait3A_77] : memref<500000x128xf32, #tpu.memory_space<hbm>> -> memref<488x128xf32, #tpu.memory_space<hbm>>
        %dma_wait3A_79 = arith.constant 0 : i32
        %dma_wait3A_80 = arith.constant 0 : i32
        %dma_wait3A_81 = tpu.memref_slice %arg3[%dma_wait3A_79, %dma_wait3A_80] : memref<500000x128xf32, #tpu.memory_space<hbm>> -> memref<488x128xf32, #tpu.memory_space<hbm>>
        tpu.wait_dma2 semaphore(%arg9 : memref<!tpu.dma_semaphore, #tpu.memory_space<semaphore_mem>>) src(%arg5 : memref<488x128xf32, #tpu.memory_space<vmem>>) dst(%dma_wait3A_81 : memref<488x128xf32, #tpu.memory_space<hbm>>)
      } else {
      }
      %mul3A_56 = arith.constant 488 : i32
      %mul3A_57 = arith.muli %add3A_50, %mul3A_56 : i32
      %add3A_58 = arith.addi %mul3A_2, %mul3A_57 : i32
      %dma_start3A_59 = arith.constant 0 : i32
      %dma_start3A_60 = tpu.memref_slice %arg2[%add3A_58, %dma_start3A_59] : memref<500000x128xf32, #tpu.memory_space<hbm>> -> memref<488x128xf32, #tpu.memory_space<hbm>>
      %dma_start3A_61 = arith.constant 0 : i32
      %dma_start3A_62 = tpu.memref_slice %arg2[%add3A_58, %dma_start3A_61] : memref<500000x128xf32, #tpu.memory_space<hbm>> -> memref<488x128xf32, #tpu.memory_space<hbm>>
      tpu.enqueue_dma source(%dma_start3A_62 : memref<488x128xf32, #tpu.memory_space<hbm>>) target(%arg5 : memref<488x128xf32, #tpu.memory_space<vmem>>) target_semaphore(%arg7 : memref<!tpu.dma_semaphore, #tpu.memory_space<semaphore_mem>>)
      %dma_wait3A_63 = arith.constant 0 : i32
      %dma_wait3A_64 = arith.constant 0 : i32
      %dma_wait3A_65 = tpu.memref_slice %arg2[%dma_wait3A_63, %dma_wait3A_64] : memref<500000x128xf32, #tpu.memory_space<hbm>> -> memref<488x128xf32, #tpu.memory_space<hbm>>
      %dma_wait3A_66 = arith.constant 0 : i32
      %dma_wait3A_67 = arith.constant 0 : i32
      %dma_wait3A_68 = tpu.memref_slice %arg2[%dma_wait3A_66, %dma_wait3A_67] : memref<500000x128xf32, #tpu.memory_space<hbm>> -> memref<488x128xf32, #tpu.memory_space<hbm>>
      tpu.wait_dma2 semaphore(%arg7 : memref<!tpu.dma_semaphore, #tpu.memory_space<semaphore_mem>>) src(%dma_wait3A_68 : memref<488x128xf32, #tpu.memory_space<hbm>>) dst(%arg5 : memref<488x128xf32, #tpu.memory_space<vmem>>)
      %mul3A_69 = arith.constant 488 : i32
      %mul3A_70 = arith.muli %add3A_50, %mul3A_69 : i32
      %add3A_71 = arith.addi %mul3A_2, %mul3A_70 : i32
      %dma_start3A_72 = arith.constant 0 : i32
      %dma_start3A_73 = tpu.memref_slice %arg3[%add3A_71, %dma_start3A_72] : memref<500000x128xf32, #tpu.memory_space<hbm>> -> memref<488x128xf32, #tpu.memory_space<hbm>>
      %dma_start3A_74 = arith.constant 0 : i32
      %dma_start3A_75 = tpu.memref_slice %arg3[%add3A_71, %dma_start3A_74] : memref<500000x128xf32, #tpu.memory_space<hbm>> -> memref<488x128xf32, #tpu.memory_space<hbm>>
      tpu.enqueue_dma source(%arg5 : memref<488x128xf32, #tpu.memory_space<vmem>>) target(%dma_start3A_75 : memref<488x128xf32, #tpu.memory_space<hbm>>) target_semaphore(%arg9 : memref<!tpu.dma_semaphore, #tpu.memory_space<semaphore_mem>>)
    }
    %scan3A_7 = arith.constant 16 : i32
    %dma_wait3A = arith.constant 0 : i32
    %dma_wait3A_8 = arith.constant 0 : i32
    %dma_wait3A_9 = tpu.memref_slice %arg3[%dma_wait3A, %dma_wait3A_8] : memref<500000x128xf32, #tpu.memory_space<hbm>> -> memref<488x128xf32, #tpu.memory_space<hbm>>
    %dma_wait3A_10 = arith.constant 0 : i32
    %dma_wait3A_11 = arith.constant 0 : i32
    %dma_wait3A_12 = tpu.memref_slice %arg3[%dma_wait3A_10, %dma_wait3A_11] : memref<500000x128xf32, #tpu.memory_space<hbm>> -> memref<488x128xf32, #tpu.memory_space<hbm>>
    tpu.wait_dma2 semaphore(%arg8 : memref<!tpu.dma_semaphore, #tpu.memory_space<semaphore_mem>>) src(%arg4 : memref<488x128xf32, #tpu.memory_space<vmem>>) dst(%dma_wait3A_12 : memref<488x128xf32, #tpu.memory_space<hbm>>)
    %dma_wait3A_13 = arith.constant 0 : i32
    %dma_wait3A_14 = arith.constant 0 : i32
    %dma_wait3A_15 = tpu.memref_slice %arg3[%dma_wait3A_13, %dma_wait3A_14] : memref<500000x128xf32, #tpu.memory_space<hbm>> -> memref<488x128xf32, #tpu.memory_space<hbm>>
    %dma_wait3A_16 = arith.constant 0 : i32
    %dma_wait3A_17 = arith.constant 0 : i32
    %dma_wait3A_18 = tpu.memref_slice %arg3[%dma_wait3A_16, %dma_wait3A_17] : memref<500000x128xf32, #tpu.memory_space<hbm>> -> memref<488x128xf32, #tpu.memory_space<hbm>>
    tpu.wait_dma2 semaphore(%arg9 : memref<!tpu.dma_semaphore, #tpu.memory_space<semaphore_mem>>) src(%arg5 : memref<488x128xf32, #tpu.memory_space<vmem>>) dst(%dma_wait3A_18 : memref<488x128xf32, #tpu.memory_space<hbm>>)
    %eq3A = arith.constant 31 : i32
    %eq3A_19 = arith.cmpi eq, %add3A, %eq3A : i32
    %convert_element_type3A = arith.extui %eq3A_19 : i1 to i32
    %cond3A = arith.constant 0 : i32
    %cond3A_20 = arith.cmpi ne, %convert_element_type3A, %cond3A : i32
    scf.if %cond3A_20 {
      %dma_start3A = arith.constant 0 : i32
      %dma_start3A_21 = arith.constant 0 : i32
      %dma_start3A_22 = tpu.memref_slice %arg4[%dma_start3A, %dma_start3A_21] : memref<488x128xf32, #tpu.memory_space<vmem>> -> memref<288x128xf32, #tpu.memory_space<vmem>>
      %dma_start3A_23 = arith.constant 499712 : i32
      %dma_start3A_24 = arith.constant 0 : i32
      %dma_start3A_25 = tpu.memref_slice %arg2[%dma_start3A_23, %dma_start3A_24] : memref<500000x128xf32, #tpu.memory_space<hbm>> -> memref<288x128xf32, #tpu.memory_space<hbm>>
      %dma_start3A_26 = arith.constant 0 : i32
      %dma_start3A_27 = arith.constant 0 : i32
      %dma_start3A_28 = tpu.memref_slice %arg4[%dma_start3A_26, %dma_start3A_27] : memref<488x128xf32, #tpu.memory_space<vmem>> -> memref<288x128xf32, #tpu.memory_space<vmem>>
      %dma_start3A_29 = arith.constant 499712 : i32
      %dma_start3A_30 = arith.constant 0 : i32
      %dma_start3A_31 = tpu.memref_slice %arg2[%dma_start3A_29, %dma_start3A_30] : memref<500000x128xf32, #tpu.memory_space<hbm>> -> memref<288x128xf32, #tpu.memory_space<hbm>>
      tpu.enqueue_dma source(%dma_start3A_31 : memref<288x128xf32, #tpu.memory_space<hbm>>) target(%dma_start3A_28 : memref<288x128xf32, #tpu.memory_space<vmem>>) target_semaphore(%arg6 : memref<!tpu.dma_semaphore, #tpu.memory_space<semaphore_mem>>)
      %dma_wait3A_32 = arith.constant 0 : i32
      %dma_wait3A_33 = arith.constant 0 : i32
      %dma_wait3A_34 = tpu.memref_slice %arg4[%dma_wait3A_32, %dma_wait3A_33] : memref<488x128xf32, #tpu.memory_space<vmem>> -> memref<288x128xf32, #tpu.memory_space<vmem>>
      %dma_wait3A_35 = arith.constant 499712 : i32
      %dma_wait3A_36 = arith.constant 0 : i32
      %dma_wait3A_37 = tpu.memref_slice %arg2[%dma_wait3A_35, %dma_wait3A_36] : memref<500000x128xf32, #tpu.memory_space<hbm>> -> memref<288x128xf32, #tpu.memory_space<hbm>>
      %dma_wait3A_38 = arith.constant 0 : i32
      %dma_wait3A_39 = arith.constant 0 : i32
      %dma_wait3A_40 = tpu.memref_slice %arg4[%dma_wait3A_38, %dma_wait3A_39] : memref<488x128xf32, #tpu.memory_space<vmem>> -> memref<288x128xf32, #tpu.memory_space<vmem>>
      %dma_wait3A_41 = arith.constant 499712 : i32
      %dma_wait3A_42 = arith.constant 0 : i32
      %dma_wait3A_43 = tpu.memref_slice %arg2[%dma_wait3A_41, %dma_wait3A_42] : memref<500000x128xf32, #tpu.memory_space<hbm>> -> memref<288x128xf32, #tpu.memory_space<hbm>>
      tpu.wait_dma2 semaphore(%arg6 : memref<!tpu.dma_semaphore, #tpu.memory_space<semaphore_mem>>) src(%dma_wait3A_43 : memref<288x128xf32, #tpu.memory_space<hbm>>) dst(%dma_wait3A_40 : memref<288x128xf32, #tpu.memory_space<vmem>>)
      %dma_start3A_44 = arith.constant 0 : i32
      %dma_start3A_45 = arith.constant 0 : i32
      %dma_start3A_46 = tpu.memref_slice %arg4[%dma_start3A_44, %dma_start3A_45] : memref<488x128xf32, #tpu.memory_space<vmem>> -> memref<288x128xf32, #tpu.memory_space<vmem>>
      %dma_start3A_47 = arith.constant 499712 : i32
      %dma_start3A_48 = arith.constant 0 : i32
      %dma_start3A_49 = tpu.memref_slice %arg3[%dma_start3A_47, %dma_start3A_48] : memref<500000x128xf32, #tpu.memory_space<hbm>> -> memref<288x128xf32, #tpu.memory_space<hbm>>
      %dma_start3A_50 = arith.constant 499712 : i32
      %dma_start3A_51 = arith.constant 0 : i32
      %dma_start3A_52 = tpu.memref_slice %arg3[%dma_start3A_50, %dma_start3A_51] : memref<500000x128xf32, #tpu.memory_space<hbm>> -> memref<288x128xf32, #tpu.memory_space<hbm>>
      %dma_start3A_53 = arith.constant 0 : i32
      %dma_start3A_54 = arith.constant 0 : i32
      %dma_start3A_55 = tpu.memref_slice %arg4[%dma_start3A_53, %dma_start3A_54] : memref<488x128xf32, #tpu.memory_space<vmem>> -> memref<288x128xf32, #tpu.memory_space<vmem>>
      tpu.enqueue_dma source(%dma_start3A_55 : memref<288x128xf32, #tpu.memory_space<vmem>>) target(%dma_start3A_52 : memref<288x128xf32, #tpu.memory_space<hbm>>) target_semaphore(%arg8 : memref<!tpu.dma_semaphore, #tpu.memory_space<semaphore_mem>>)
      %dma_wait3A_56 = arith.constant 0 : i32
      %dma_wait3A_57 = arith.constant 0 : i32
      %dma_wait3A_58 = tpu.memref_slice %arg4[%dma_wait3A_56, %dma_wait3A_57] : memref<488x128xf32, #tpu.memory_space<vmem>> -> memref<288x128xf32, #tpu.memory_space<vmem>>
      %dma_wait3A_59 = arith.constant 499712 : i32
      %dma_wait3A_60 = arith.constant 0 : i32
      %dma_wait3A_61 = tpu.memref_slice %arg3[%dma_wait3A_59, %dma_wait3A_60] : memref<500000x128xf32, #tpu.memory_space<hbm>> -> memref<288x128xf32, #tpu.memory_space<hbm>>
      %dma_wait3A_62 = arith.constant 499712 : i32
      %dma_wait3A_63 = arith.constant 0 : i32
      %dma_wait3A_64 = tpu.memref_slice %arg3[%dma_wait3A_62, %dma_wait3A_63] : memref<500000x128xf32, #tpu.memory_space<hbm>> -> memref<288x128xf32, #tpu.memory_space<hbm>>
      %dma_wait3A_65 = arith.constant 0 : i32
      %dma_wait3A_66 = arith.constant 0 : i32
      %dma_wait3A_67 = tpu.memref_slice %arg4[%dma_wait3A_65, %dma_wait3A_66] : memref<488x128xf32, #tpu.memory_space<vmem>> -> memref<288x128xf32, #tpu.memory_space<vmem>>
      tpu.wait_dma2 semaphore(%arg8 : memref<!tpu.dma_semaphore, #tpu.memory_space<semaphore_mem>>) src(%dma_wait3A_67 : memref<288x128xf32, #tpu.memory_space<vmem>>) dst(%dma_wait3A_64 : memref<288x128xf32, #tpu.memory_space<hbm>>)
    } else {
    }
    return
  }
}

module attributes {stable_mosaic.version = 14 : i64} {
  func.func @_matmul_body(%arg0: i32, %arg1: memref<10000x512xf32, #tpu.memory_space<vmem>>, %arg2: memref<512x64xf32, #tpu.memory_space<vmem>>, %arg3: memref<10000x64xf32, #tpu.memory_space<vmem>>) attributes {dimension_semantics = [#tpu.dimension_semantics<arbitrary>], iteration_bounds = array<i64: 10>, scalar_prefetch = 0 : i64, scratch_operands = 0 : i64, tpu.core_type = #tpu.core_type<tc>, window_params = [{transform_indices = @transform_0, window_bounds = array<i64: 10000, 512>}, {pipeline_mode = #tpu.pipeline_mode<synchronous>, transform_indices = @transform_1, window_bounds = array<i64: 512, 64>}, {transform_indices = @transform_2, window_bounds = array<i64: 10000, 64>}]} {
    %get3A = arith.constant 0 : index
    %get3A_0 = arith.constant 0 : index
    %get3A_1 = vector.load %arg1[%get3A, %get3A_0] : memref<10000x512xf32, #tpu.memory_space<vmem>>, vector<10000x512xf32>
    %get3A_2 = arith.constant 0 : index
    %get3A_3 = arith.constant 0 : index
    %get3A_4 = vector.load %arg2[%get3A_2, %get3A_3] : memref<512x64xf32, #tpu.memory_space<vmem>>, vector<512x64xf32>
    %dot_general3A = arith.constant dense<0.000000e+00> : vector<10000x64xf32>
    %dot_general3A_5 = tpu.matmul %get3A_1, %get3A_4, %dot_general3A {dimension_numbers = #tpu.dot_dimension_numbers<[1], [0], [0], [1], [0, 0, 1, 1], [], []>, transpose_lhs_hint = false} : vector<10000x512xf32>, vector<512x64xf32>, vector<10000x64xf32> -> vector<10000x64xf32>
    %swap3A = arith.constant 0 : index
    %swap3A_6 = arith.constant 0 : index
    %swap3A_7 = vector.load %arg3[%swap3A, %swap3A_6] : memref<10000x64xf32, #tpu.memory_space<vmem>>, vector<10000x64xf32>
    tpu.vector_store %arg3[%swap3A, %swap3A_6], %dot_general3A_5 {strides = array<i32>} : memref<10000x64xf32, #tpu.memory_space<vmem>>, vector<10000x64xf32>,
    return
  }
  func.func @transform_0(%arg0: i32) -> (i32, i32) {
    %c0_i32 = arith.constant 0 : i32
    %c0_i32_0 = arith.constant 0 : i32
    return %arg0, %c0_i32 : i32, i32
  }
  func.func @transform_1(%arg0: i32) -> (i32, i32) {
    %c0_i32 = arith.constant 0 : i32
    %c0_i32_0 = arith.constant 0 : i32
    %c0_i32_1 = arith.constant 0 : i32
    return %c0_i32, %c0_i32_0 : i32, i32
  }
  func.func @transform_2(%arg0: i32) -> (i32, i32) {
    %c0_i32 = arith.constant 0 : i32
    %c0_i32_0 = arith.constant 0 : i32
    return %arg0, %c0_i32 : i32, i32
  }
}

</mosaic_0001>

<sc_bundles>
// kernel: kernel.4.cloned.1.call-start
scs
__scs_entry_jumppad:
0x0: {  	(pc) =	sbr.rel $0x88, $3  }
0x1: {  	(tag) =	ssettag $0x0;
	lr =	simm.s32 $0x1  }
0x2: {  	[smem:$0x3F9C] =	sst lr;
	_ =	strace $0xD0000000  }
0x3: {  	_ = 	snop  }
0x4: {  	_ = 	snop  }
0x5: {  	_ = 	snop  }
0x6: {  	_ = 	snop  }
0x7: {  	_ = 	snop  }
__scs_overlays_trampoline_lowered:
0x8: {  	[smem:$0x3FAB] =	sst s0  }
0x9: {  	[smem:$0x3FAC] =	sst s1  }
0xa: {  	[smem:$0x3FAD] =	sst s2  }
0xb: {  	[smem:$0x3FAE] =	sst s3  }
0xc: {  	[smem:$0x3FAF] =	sst s4  }
0xd: {  	[smem:$0x3FB0] =	sst s5  }
0xe: {  	[smem:$0x3FB1] =	sst s6  }
0xf: {  	[smem:$0x3FB2] =	sst s7  }
0x10: {  	[smem:$0x3FB3] =	sst s8  }
0x11: {  	[smem:$0x3FB4] =	sst s9;
	s0 =	simm.s32 @!p0 $0x0  }
0x12: {  	s1 =	sld [smem:$0x3F9A];
	s0 =	simm.s32 @p0 $0x1  }
0x13: {  	[smem:$0x3FB5] =	sst s0;
	s0 =	simm.s32 @!p1 $0x0  }
0x14: {  	s2 =	sld [smem:$0x3F99];
	s0 =	simm.s32 @p1 $0x1  }
0x15: {  	[smem:$0x3FB6] =	sst s0;
	s0 =	simm.s32 @!p2 $0x0  }
0x16: {  	s3 =	sld [smem:$0x3FDB];
	s0 =	simm.s32 @p2 $0x1  }
0x17: {  	s4 =	simm.s32 $0x1BF5;
	[smem:$0x3FB8] =	sst s0  }
0x18: {  	s0 =	sld [smem:$0x3F9B];
	_ =	swait.ge [sflag:s4], $0x0  }
0x19: {  	s7 =	sld [smem:$0x3F9C]  }
0x1a: {  	s8 =	sadd.s32 $0xFFFFE003, lr  }
0x1b: {  	s9 =	sadd.s32 $0xFFFFFEF7, lr;
	s5 =	simm.s32 $0xFFFFFFFF;
	p2 =	slt.u32 s8, $0xFFFFF086  }
0x1c: {  	p1 =	slt.u32 s9, $0xF7A;
	s5 =	simm.s32 @!p2 $0x0  }
0x1d: {  	s5 =	simm.s32 @p1 $0x1;
	p0 =	seq.s32 s7, s2  }
0x1e: {  	s7 =	smul.u32 @!p0 $0xF7A, s2;
	p2 =	seq.s32 @!p0 s5, $0x0  }
0x1f: {  	s9 =	smul.u32 $0xF7A, s1;
	s8 =	simm.s32 @!p0 $0x1BF5;
	p2 =	por !p2, p0  }
0x20: {  	[sflag:s8] =	ssyncset.s32 @!p0 $0xFFFFF086;
	s6 =	sadd.s32 @!p0 s3, s7;
	s7 =	simm.s32 @!p0 $0x108  }
0x21: {  	s3 =	sadd.s32 s3, s9;
	s6 =	sadd.s32 @!p0 $0x88, s6;
	s7 =	simm.s32 @p2 $0x1082  }
0x22: {  	[simem:s7], [sflag:s8] =	dma.local @!p0 [hbm:s6], $0xF7A  }
0x23: {  	s9 =	sor.u32 $0xD0000000, s2;
	s6 =	simm.s32 $0x108;
	_ =	swait.ge @!p0 [sflag:s8], $0x0  }
0x24: {  	s3 =	sadd.s32 $0x88, s3;
	s6 =	simm.s32 @!p1 $0x1082;
	[sflag:s4] =	ssyncset.s32 $0xFFFFF086  }
0x25: {  	[simem:s6], [sflag:s4] =	dma.local [hbm:s3], $0xF7A  }
0x26: {  	[smem:$0x3F9C] =	sst s1;
	(tag) =	ssettag s2;
	_ =	strace s9  }
0x27: {  	s1 =	sld [smem:$0x3FAC]  }
0x28: {  	s2 =	sld [smem:$0x3FAD]  }
0x29: {  	s4 =	sld [smem:$0x3FAF]  }
0x2a: {  	p0 =	seq.s32 s5, $0x0;
	s5 =	sld [smem:$0x3FB0]  }
0x2b: {  	s6 =	sld [smem:$0x3FB1]  }
0x2c: {  	s7 =	sld [smem:$0x3FB2]  }
0x2d: {  	s3 =	simm.s32 $0x108;
	s8 =	sld [smem:$0x3FB3]  }
0x2e: {  	s3 =	simm.s32 @!p0 $0x1082;
	s9 =	sld [smem:$0x3FB4]  }
0x2f: {  	lr =	sadd.s32 s0, s3;
	s0 =	sld [smem:$0x3FAB]  }
0x30: {  	s3 =	sld [smem:$0x3FAE]  }
0x31: {  	[smem:$0x3FB7] =	sst s10  }
0x32: {  	s10 =	sld [smem:$0x3FB5];
	_ =	sdelay $0x3  }
0x33: {  	p0 =	seq.s32 s10, $0x1;
	s10 =	sld [smem:$0x3FB7];
	_ =	sdelay $0x3  }
0x34: {  	[smem:$0x3FB7] =	sst s10  }
0x35: {  	s10 =	sld [smem:$0x3FB6];
	_ =	sdelay $0x3  }
0x36: {  	p1 =	seq.s32 s10, $0x1;
	s10 =	sld [smem:$0x3FB7];
	_ =	sdelay $0x3  }
0x37: {  	[smem:$0x3FB7] =	sst s10  }
0x38: {  	s10 =	sld [smem:$0x3FB8]  }
0x39: {  	_ = 	snop;
	(pc) =	sbr.ind lr, $3  }
0x3a: {  	_ = 	snop  }
0x3b: {  	_ = 	snop  }
0x3c: {  	p2 =	seq.s32 s10, $0x1;
	s10 =	sld [smem:$0x3FB7]  }
0x3d: {  	_ =	shalt  }
0x3e: {  	_ =	shalt  }
0x3f: {  	_ =	shalt  }
0x40: {  	_ =	shalt  }
0x41: {  	_ =	shalt  }
0x42: {  	_ =	shalt  }
0x43: {  	_ =	shalt  }
0x44: {  	_ =	shalt  }
0x45: {  	_ =	shalt  }
0x46: {  	_ =	shalt  }
0x47: {  	_ =	shalt  }
0x48: {  	_ =	shalt  }
0x49: {  	_ =	shalt  }
0x4a: {  	_ =	shalt  }
0x4b: {  	_ =	shalt  }
0x4c: {  	_ =	shalt  }
0x4d: {  	_ =	shalt  }
0x4e: {  	_ =	shalt  }
0x4f: {  	_ =	shalt  }
0x50: {  	_ =	shalt  }
0x51: {  	_ =	shalt  }
0x52: {  	_ =	shalt  }
0x53: {  	_ =	shalt  }
0x54: {  	_ =	shalt  }
0x55: {  	_ =	shalt  }
0x56: {  	_ =	shalt  }
0x57: {  	_ =	shalt  }
0x58: {  	_ =	shalt  }
0x59: {  	_ =	shalt  }
0x5a: {  	_ =	shalt  }
0x5b: {  	_ =	shalt  }
0x5c: {  	_ =	shalt  }
0x5d: {  	_ =	shalt  }
0x5e: {  	_ =	shalt  }
0x5f: {  	_ =	shalt  }
0x60: {  	_ =	shalt  }
0x61: {  	_ =	shalt  }
0x62: {  	_ =	shalt  }
0x63: {  	_ =	shalt  }
0x64: {  	_ =	shalt  }
0x65: {  	_ =	shalt  }
0x66: {  	_ =	shalt  }
0x67: {  	_ =	shalt  }
0x68: {  	_ =	shalt  }
0x69: {  	_ =	shalt  }
0x6a: {  	_ =	shalt  }
0x6b: {  	_ =	shalt  }
0x6c: {  	_ =	shalt  }
0x6d: {  	_ =	shalt  }
0x6e: {  	_ =	shalt  }
0x6f: {  	_ =	shalt  }
0x70: {  	_ =	shalt  }
0x71: {  	_ =	shalt  }
0x72: {  	_ =	shalt  }
0x73: {  	_ =	shalt  }
0x74: {  	_ =	shalt  }
0x75: {  	_ =	shalt  }
0x76: {  	_ =	shalt  }
0x77: {  	_ =	shalt  }
0x78: {  	_ =	shalt  }
0x79: {  	_ =	shalt  }
0x7a: {  	_ =	shalt  }
0x7b: {  	_ =	shalt  }
0x7c: {  	_ =	shalt  }
0x7d: {  	_ =	shalt  }
0x7e: {  	_ =	shalt  }
0x7f: {  	_ =	shalt  }
0x80: {  	_ =	shalt  }
0x81: {  	_ =	shalt  }
0x82: {  	_ =	shalt  }
0x83: {  	_ =	shalt  }
0x84: {  	_ =	shalt  }
0x85: {  	_ =	shalt  }
0x86: {  	_ =	shalt  }
0x87: {  	_ =	shalt  }
.Lfunc_end0:
.L_simem_size_0:
called_computation.1_lowered:
.L_overlay_start_0:
0x88: {  	s2 =	sld [smem:$0x3FD9]  }
0x89: {  	s3 =	sld [smem:$0x3FFE];
	_ =	sdelay $0x1  }
0x8a: {  	s1 =	srdreg.scid  }
0x8b: {  	s0 =	sand.u32 $0x1, s1  }
0x8c: {  	s15 =	sshll.u32 s0, $0xA;
	s2 =	sadd.s32 s3, s2  }
0x8d: {  	s2 =	sadd.s32 s2, s15  }
0x8e: {  	[smem:$0x3FC3] =	sst s2  }
0x8f: {  	_ = 	snop  }
0x90: {  	s2 =	sld [smem:$0x3FD0];
	_ =	sdelay $0x2  }
0x91: {  	s16 =	simm.s32 $0xA;
	s4 =	simm.s32 $0x10  }
0x92: {  	[smem:s4], [sflag:s16] =	dma.local [hbm:s2], $0x1  }
0x93: {  	_ =	swait.eq [sflag:s16], $0x1  }
0x94: {  	[sflag:s16] =	ssyncset.done $0x0  }
0x95: {  	s17 =	sld [smem:$0x10];
	[sflag:s16] =	ssyncadd.s32 $0xFFFFFFFF  }
0x96: {  	s18 =	sld [smem:$0x12];
	(tm) =	ssettm $0x1  }
0x97: {  	s19 =	sld [smem:$0x3FFB];
	_ =	sdelay $0x3  }
0x98: {  	_ =	strace s19  }
0x99: {  	s4 =	sld [smem:$0x3FFC];
	_ =	sdelay $0x3  }
0x9a: {  	_ =	strace s4  }
0x9b: {  	s4 =	sld [smem:$0x3FFD];
	_ =	sdelay $0x3  }
0x9c: {  	_ =	strace s4  }
0x9d: {  	_ =	strace $0x8FFFFFFF  }
0x9e: {  	s20 =	sld [smem:$0x3FDB];
	_ =	sdelay $0x1  }
0x9f: {  	s5 =	simm.s32 $_scs_section_size  }
0xa0: {  	s6 =	simm.s32 $_size__tile_overlayer_lowered;
	s7 =	simm.s32 $_tile_overlayer_lowered  }
0xa1: {  	s23 =	simm.s32 $0x1BFF;
	s22 =	sshll.u32 s7, $0x1;
	s4 =	sadd.s32 s5, s20  }
0xa2: {  	s8 =	simm.s32 $0x0;
	s21 =	sshll.u32 s6, $0x1;
	s6 =	sadd.s32 s22, s4  }
0xa3: {  	[timem:s8], [sflag:s23] =	dma.local [hbm:s6], s21  }
0xa4: {  	_ =	swait.ge [sflag:s23], s21  }
0xa5: {  	s5 =	ssub.s32 $0x0, s21;
	[sflag:s23] =	ssyncset.done $0x0  }
0xa6: {  	[sflag:s23] =	ssyncadd.s32 s5;
	_ =	sdelay $0x1  }
0xa7: {  	s24 =	simm.s32 $0x1B8B  }
0xa8: {  	_ =	swait.ge [sflag:s24], $0x1  }
0xa9: {  	[sflag:s24] =	ssyncset.done $0x0  }
0xaa: {  	s25 =	simm.s32 $0x1B8E;
	[sflag:s24] =	ssyncadd.s32 $0xFFFFFFFF  }
0xab: {  	s26 =	simm.s32 $execute0_lowered;
	[smem:$0x3FD2] =	sst s25  }
0xac: {  	s5 =	sshll.u32 s26, $0x1;
	_ =	strace $0x80000046;
	[dreg:$0x1] =	wrdreg $0xFFFFFFFF  }
0xad: {  	s28 =	simm.s32 $_size_execute0_lowered;
	s4 =	sadd.s32 s4, s5;
	[dreg:$0x0] =	wrdreg $0x0  }
0xae: {  	s5 =	sshll.u32 s28, $0x1;
	[dreg:$0x2] =	wrdreg s4  }
0xaf: {  	[dreg:$0x3] =	wrdreg s5  }
0xb0: {  	[dreg:$0x4] =	wrdreg $0xC0  }
0xb1: {  	_ =	task [dreg:s8], $0x5FFFF  }
0xb2: {  	[dreg:$0x1] =	wrdreg $0xFFFFFFFF  }
0xb3: {  	[dreg:$0x0] =	wrdreg $0x60  }
0xb4: {  	[dreg:$0x2] =	wrdreg s17  }
0xb5: {  	[dreg:$0x3] =	wrdreg s18  }
0xb6: {  	[dreg:$0x4] =	wrdreg $0x9  }
0xb7: {  	_ =	task.clear_ibuf [dreg:s8], $0x5FFFF;
	_ =	strace $0x90000046  }
0xb8: {  	s29 =	simm.s32 $0x9;
	_ =	strace $0x80000048  }
0xb9: {  	_ =	swait.ge [sflag:s29], $0x1  }
0xba: {  	[sflag:s29] =	ssyncadd.s32 $0xFFFFFFFF  }
0xbb: {  	_ =	strace $0x90000048  }
0xbc: {  	_ =	sfence  }
0xbd: {  	s30 =	sld [smem:$0x0];
	_ =	sdelay $0x2  }
0xbe: {  	s31 =	sshll.u32 s1, $0xD;
	s1 =	sshrl.u32 s1, $0x2  }
0xbf: {  	s3 =	sand.u32 $0x4000, s31;
	s1 =	sadd.s32 s1, s30  }
0xc0: {  	s0 =	sor.u32 s3, s0;
	s1 =	sshll.u32 s1, $0x11  }
0xc1: {  	s0 =	sor.u32 s1, s0  }
0xc2: {  	s0 =	sadd.s32 $0x8F2B, s0  }
0xc3: {  	[sflag:s0] =	ssyncadd.remote.s32 $0x1  }
0xc4: {  	_ =	sfence.sel $0xFFFF  }
0xc5: {  	[dreg:$0x0] =	wrdreg $0xFFFFFFFF;
	(pc) =	sbr.abs _section_cstart, $3  }
0xc6: {  	[dreg:$0x1] =	wrdreg $0xFFFFFFFF  }
0xc7: {  	_ =	task.clear_ibuf [dreg:s8], $0x2FFFF;
	_ =	strace $0x9FFFFFFF  }
0xc8: {  	(tm) =	ssettm $0x7FFFFFFF  }
0xc9: {  	_ =	shalt  }
tec
execute0_lowered:
.L_overlay_start_1:
0x0: {  	(tag) =	ssettag $0x1  }
0x1: {  	s10 =	rddreg [dreg:$0x0]  }
0x2: {  	s11 =	rddreg [dreg:$0x1];
	s2 =	srdreg.scid  }
0x3: {  	s0 =	rddreg [dreg:$0x2];
	s1 =	stileid.u32;
	s15 =	simm.s32 $0x3  }
0x4: {  	s16 =	simm.s32 $0x4;
	s9 =	sand.u32 $0x1, s2;
	s2 =	simm.s32 $0x0  }
0x5: {  	s4 =	sshll.u32 s1, $0x1;
	s13 =	smul.u32 $0x7A000, s1;
	s3 =	ssub.s32 $0x2, s9  }
0x6: {  	[smem:$0x7FF] =	sst s2;
	s17 =	sor.u32 s9, s4;
	s4 =	sadd.s32 $0x7A0000, s11  }
0x7: {  	s14 =	smul.u32 $0x3D000, s9;
	s5 =	sshrl.u32 s3, $0x1;
	_ =	strace $0x80000047  }
0x8: {  	s7 =	smul.u32 $0x3D000, s17;
	p0 =	sne.s32 s17, $0x1F;
	s5 =	ssub.s32 s3, s5  }
0x9: {  	s17 =	simm.s32 $0x0;
	s3 =	sadd.s32 $0x7A0000, s10;
	s5 =	smax.u32 s5, $0x1  }
0xa: {  	s6 =	sadd.s32 s10, s7;
	s12 =	sadd.s32 $0x1E80, s7;
	s7 =	sadd.s32 s11, s7  }
0xb: {  	s8 =	sadd.s32 s10, s12;
	s9 =	sadd.s32 s11, s12;
	s10 =	sadd.s32 s13, s10  }
0xc: {  	s11 =	sadd.s32 s13, s11;
	s12 =	simm.s32 $0x1;
	s13 =	simm.s32 $0xF400  }
0xd: {  	s10 =	sadd.s32 s14, s10;
	s11 =	sadd.s32 s14, s11;
	s14 =	simm.s32 $0x2  }
.LBB2_1:
0xe: {  	[tilespmem:s2], [sflag:$0x1] =	stream.linear.gather [hbm4b:s6+s2], $0xF400, $0x38;
	[tilespmem:$0x1E800] =	vst v63  }
0xf: {  	_ =	swait.ge [sflag:s12], $0xF400  }
0x10: {  	[sflag:s12] =	ssyncset.done $0x0  }
0x11: {  	[sflag:s12] =	ssyncadd.s32 $0xFFFF0C00  }
0x12: {  	[hbm4b:s7+s2] =	stream.linear.scatter [tilespmem:s2], [sflag:$0x3], $0xF400, $0x38;
	[tilespmem:$0x1E800] =	vst v63  }
0x13: {  	_ = 	snop  }
0x14: {  	[tilespmem:s13], [sflag:$0x2] =	stream.linear.gather [hbm4b:s8+s2], $0xF400, $0x38;
	[tilespmem:$0x1E800] =	vst v63  }
0x15: {  	_ =	swait.ge [sflag:s14], $0xF400  }
0x16: {  	[sflag:s14] =	ssyncset.done $0x0  }
0x17: {  	[sflag:s14] =	ssyncadd.s32 $0xFFFF0C00  }
0x18: {  	[hbm4b:s9+s2] =	stream.linear.scatter [tilespmem:s13], [sflag:$0x4], $0xF400, $0x38;
	[tilespmem:$0x1E800] =	vst v63  }
0x19: {  	_ =	swait.ge [sflag:s15], $0xF400  }
0x1a: {  	s18 =	sadd.s32 $0x0, s10;
	[sflag:s15] =	ssyncset.done $0x0  }
0x1b: {  	s19 =	sadd.s32 $0x3D00, s18;
	[sflag:s15] =	ssyncadd.s32 $0xFFFF0C00  }
0x1c: {  	[tilespmem:s2], [sflag:$0x1] =	stream.linear.gather [hbm4b:s19+s2], $0xF400, $0x38;
	[tilespmem:$0x1E800] =	vst v63  }
0x1d: {  	_ =	swait.ge [sflag:s12], $0xF400  }
0x1e: {  	s31 =	sadd.s32 $0x0, s11;
	[sflag:s12] =	ssyncset.done $0x0  }
0x1f: {  	s20 =	sadd.s32 $0x3D00, s31;
	[sflag:s12] =	ssyncadd.s32 $0xFFFF0C00  }
0x20: {  	[hbm4b:s20+s2] =	stream.linear.scatter [tilespmem:s2], [sflag:$0x3], $0xF400, $0x38;
	[tilespmem:$0x1E800] =	vst v63  }
0x21: {  	_ =	swait.ge [sflag:s16], $0xF400  }
0x22: {  	[sflag:s16] =	ssyncset.done $0x0  }
0x23: {  	s18 =	sadd.s32 $0x5B80, s18;
	[sflag:s16] =	ssyncadd.s32 $0xFFFF0C00  }
0x24: {  	[tilespmem:s13], [sflag:$0x2] =	stream.linear.gather [hbm4b:s18+s2], $0xF400, $0x38;
	[tilespmem:$0x1E800] =	vst v63  }
0x25: {  	_ =	swait.ge [sflag:s14], $0xF400  }
0x26: {  	[sflag:s14] =	ssyncset.done $0x0  }
0x27: {  	s19 =	sadd.s32 $0x5B80, s31;
	s18 =	simm.s32 $0x3D00;
	[sflag:s14] =	ssyncadd.s32 $0xFFFF0C00  }
.LBB2_2:
0x28: {  	[hbm4b:s19+s2] =	stream.linear.scatter [tilespmem:s13], [sflag:$0x4], $0xF400, $0x38;
	[tilespmem:$0x1E800] =	vst v63  }
0x29: {  	s19 =	smov.u32 s18  }
0x2a: {  	p1 =	sne.s32 s18, $0x35600;
	s18 =	sadd.s32 $0x3D00, s18;
	_ =	swait.ge [sflag:s15], $0xF400  }
0x2b: {  	s20 =	sadd.s32 s19, s10;
	[sflag:s15] =	ssyncset.done $0x0  }
0x2c: {  	s21 =	sadd.s32 $0x3D00, s20;
	[sflag:s15] =	ssyncadd.s32 $0xFFFF0C00  }
0x2d: {  	[tilespmem:s2], [sflag:$0x1] =	stream.linear.gather [hbm4b:s21+s2], $0xF400, $0x38;
	[tilespmem:$0x1E800] =	vst v63  }
0x2e: {  	_ =	swait.ge [sflag:s12], $0xF400  }
0x2f: {  	s19 =	sadd.s32 s19, s11;
	[sflag:s12] =	ssyncset.done $0x0  }
0x30: {  	s21 =	sadd.s32 $0x3D00, s19;
	[sflag:s12] =	ssyncadd.s32 $0xFFFF0C00  }
0x31: {  	[hbm4b:s21+s2] =	stream.linear.scatter [tilespmem:s2], [sflag:$0x3], $0xF400, $0x38;
	[tilespmem:$0x1E800] =	vst v63  }
0x32: {  	_ =	swait.ge [sflag:s16], $0xF400  }
0x33: {  	[sflag:s16] =	ssyncset.done $0x0  }
.Ltmp0:
0x34: {  	s20 =	sadd.s32 $0x5B80, s20;
	[sflag:s16] =	ssyncadd.s32 $0xFFFF0C00;
	(pc) =	sbr.rel @p1 .LBB2_2-.Ltmp0, $4  }
0x35: {  	[tilespmem:s13], [sflag:$0x2] =	stream.linear.gather [hbm4b:s20+s2], $0xF400, $0x38;
	[tilespmem:$0x1E800] =	vst v63  }
0x36: {  	_ =	swait.ge [sflag:s14], $0xF400  }
0x37: {  	[sflag:s14] =	ssyncset.done $0x0  }
0x38: {  	s19 =	sadd.s32 $0x5B80, s19;
	[sflag:s14] =	ssyncadd.s32 $0xFFFF0C00  }
0x39: {  	[hbm4b:s19+s2] =	stream.linear.scatter [tilespmem:s13], [sflag:$0x4], $0xF400, $0x38;
	[tilespmem:$0x1E800] =	vst v63  }
0x3a: {  	_ =	swait.ge [sflag:s15], $0xF400  }
0x3b: {  	[sflag:s15] =	ssyncset.done $0x0  }
0x3c: {  	[sflag:s15] =	ssyncadd.s32 $0xFFFF0C00  }
0x3d: {  	_ =	swait.ge [sflag:s16], $0xF400  }
0x3e: {  	[sflag:s16] =	ssyncset.done $0x0  }
0x3f: {  	s18 =	simm.s32 @!p0 $0x0;
	s19 =	simm.s32 @!p0 $0x1;
	[sflag:s16] =	ssyncadd.s32 $0xFFFF0C00  }
0x40: {  	[tilespmem:s18], [sflag:$0x1] =	stream.linear.gather @!p0 [hbm4b:s3+s18], $0x9000, $0x38;
	[tilespmem:$0x1E800] =	vst v63  }
0x41: {  	_ =	swait.ge @!p0 [sflag:s19], $0x9000  }
0x42: {  	s17 =	sadd.s32 $0x1, s17;
	[sflag:s19] =	ssyncset.done @!p0 $0x0  }
0x43: {  	p1 =	sne.s32 s17, s5;
	[sflag:s19] =	ssyncadd.s32 @!p0 $0xFFFF7000  }
0x44: {  	[hbm4b:s4+s18] =	stream.linear.scatter @!p0 [tilespmem:s18], [sflag:$0x3], $0x9000, $0x38;
	[tilespmem:$0x1E800] =	vst v63  }
.Ltmp1:
0x45: {  	_ = 	snop;
	(pc) =	sbr.rel @p1 .LBB2_1-.Ltmp1, $4  }
0x46: {  	s18 =	simm.s32 @!p0 $0x3  }
0x47: {  	_ =	swait.ge @!p0 [sflag:s18], $0x9000  }
0x48: {  	[sflag:s18] =	ssyncset.done @!p0 $0x0  }
0x49: {  	[sflag:s18] =	ssyncadd.s32 @!p0 $0xFFFF7000  }
0x4a: {  	_ =	sfence.sel $0x180000  }
0x4b: {  	[bflag:$0x0] =	sbarrier.arrive $0xFFFF  }
0x4c: {  	p0 =	sne.s32 s1, $0x0;
	_ =	strace $0x90000047  }
0x4d: {  	s0 =	sadd.s32 @!p0 $0x100000, s0;
	[bflag:$0x2] =	sbarrier.arrive $0xFFFF  }
0x4e: {  	[sflag:s0] =	ssyncadd.tile.s32 @!p0 $0x1;
	_ =	shalt  }
.Lfunc_end2:
_tile_overlayer_lowered:
.L_overlay_start_2:
0x4f: {  	(tag) =	ssettag $0x2  }
0x50: {  	s0 =	rddreg [dreg:$0x0];
	s2 =	stileid.u32  }
0x51: {  	s1 =	rddreg [dreg:$0x1];
	p0 =	sne.s32 s2, $0x0  }
0x52: {  	s3 =	rddreg [dreg:$0x2];
	[bflag:$0x3] =	sbarrier.arrive $0xFFFF;
	s2 =	simm.s32 @!p0 $0x1C05  }
0x53: {  	[timem:s3], [sflag:s2] =	dma.local @!p0 [hbm:s0], s1  }
0x54: {  	s0 =	simm.s32 @!p0 $0x5  }
0x55: {  	_ =	swait.ge @!p0 [sflag:s0], s1  }
0x56: {  	s1 =	ssub.s32 @!p0 $0x0, s1;
	[sflag:s0] =	ssyncset.done @!p0 $0x0  }
0x57: {  	[sflag:s0] =	ssyncadd.s32 @!p0 s1  }
0x58: {  	[bflag:$0x3] =	sbarrier.arrive $0xFFFF  }
0x59: {  	_ =	shalt  }

// kernel: sparse-core-data-format-call.cloned.1.call-start
scs
called_computation_lowered:
.L_overlay_start_0:
0x0: {  	s2 =	sld [smem:$0x3FD9]  }
0x1: {  	s3 =	sld [smem:$0x3FFE];
	_ =	sdelay $0x1  }
0x2: {  	s1 =	srdreg.scid  }
0x3: {  	s0 =	sand.u32 $0x1, s1  }
0x4: {  	s15 =	sshll.u32 s0, $0xA;
	s2 =	sadd.s32 s3, s2  }
0x5: {  	s2 =	sadd.s32 s2, s15  }
0x6: {  	[smem:$0x3FC3] =	sst s2  }
0x7: {  	_ = 	snop  }
0x8: {  	s2 =	sld [smem:$0x3FD0];
	_ =	sdelay $0x2  }
0x9: {  	s16 =	simm.s32 $0xA;
	s4 =	simm.s32 $0x10  }
0xa: {  	[smem:s4], [sflag:s16] =	dma.local [hbm:s2], $0x1  }
0xb: {  	_ =	swait.eq [sflag:s16], $0x1  }
0xc: {  	[sflag:s16] =	ssyncset.done $0x0  }
0xd: {  	[sflag:s16] =	ssyncadd.s32 $0xFFFFFFFF  }
0xe: {  	s17 =	sld [smem:$0x10];
	(tm) =	ssettm $0x1  }
0xf: {  	s18 =	sld [smem:$0x3FFB];
	_ =	sdelay $0x3  }
0x10: {  	_ =	strace s18  }
0x11: {  	s3 =	sld [smem:$0x3FFC];
	_ =	sdelay $0x3  }
0x12: {  	_ =	strace s3  }
0x13: {  	s3 =	sld [smem:$0x3FFD];
	_ =	sdelay $0x3  }
0x14: {  	_ =	strace s3  }
0x15: {  	_ =	strace $0x8FFFFFFF  }
0x16: {  	s19 =	sld [smem:$0x3FDB];
	_ =	sdelay $0x1  }
0x17: {  	s20 =	simm.s32 $_scs_section_size  }
0x18: {  	s5 =	simm.s32 $_size__tile_overlayer_lowered;
	s6 =	simm.s32 $_tile_overlayer_lowered  }
0x19: {  	s23 =	simm.s32 $0x1BFF;
	s22 =	sshll.u32 s6, $0x1;
	s3 =	sadd.s32 s20, s19  }
0x1a: {  	s7 =	simm.s32 $0x0;
	s21 =	sshll.u32 s5, $0x1;
	s5 =	sadd.s32 s22, s3  }
0x1b: {  	[timem:s7], [sflag:s23] =	dma.local [hbm:s5], s21  }
0x1c: {  	_ =	swait.ge [sflag:s23], s21  }
0x1d: {  	s4 =	ssub.s32 $0x0, s21;
	[sflag:s23] =	ssyncset.done $0x0  }
0x1e: {  	[sflag:s23] =	ssyncadd.s32 s4;
	_ =	sdelay $0x1  }
0x1f: {  	s24 =	simm.s32 $0x1B8B  }
0x20: {  	_ =	swait.ge [sflag:s24], $0x1  }
0x21: {  	[sflag:s24] =	ssyncset.done $0x0  }
0x22: {  	s26 =	simm.s32 $0x1B8E;
	s25 =	sld [smem:$0x3FFE];
	[sflag:s24] =	ssyncadd.s32 $0xFFFFFFFF  }
0x23: {  	s27 =	simm.s32 $execute0_lowered;
	[smem:$0x3FD2] =	sst s26  }
0x24: {  	s5 =	sshll.u32 s27, $0x1;
	_ =	strace $0x80000049;
	[dreg:$0x1] =	wrdreg $0xFFFFFFFF  }
0x25: {  	s28 =	simm.s32 $_size_execute0_lowered;
	s3 =	sadd.s32 s3, s5;
	[dreg:$0x0] =	wrdreg $0x0  }
0x26: {  	s5 =	sshll.u32 s28, $0x1;
	[dreg:$0x2] =	wrdreg s3  }
0x27: {  	[dreg:$0x3] =	wrdreg s5  }
0x28: {  	[dreg:$0x4] =	wrdreg $0xC0  }
0x29: {  	_ =	task [dreg:s7], $0x5FFFF  }
0x2a: {  	[dreg:$0x1] =	wrdreg $0xFFFFFFFF  }
0x2b: {  	[dreg:$0x0] =	wrdreg $0x60  }
0x2c: {  	[dreg:$0x2] =	wrdreg s25  }
0x2d: {  	[dreg:$0x3] =	wrdreg s17  }
0x2e: {  	[dreg:$0x4] =	wrdreg $0x9  }
0x2f: {  	_ =	task.clear_ibuf [dreg:s7], $0x5FFFF;
	_ =	strace $0x90000049  }
0x30: {  	s29 =	simm.s32 $0x9;
	_ =	strace $0x8000004B  }
0x31: {  	_ =	swait.ge [sflag:s29], $0x1  }
0x32: {  	[sflag:s29] =	ssyncadd.s32 $0xFFFFFFFF  }
0x33: {  	_ =	strace $0x9000004B  }
0x34: {  	_ =	sfence  }
0x35: {  	s30 =	sld [smem:$0x0];
	_ =	sdelay $0x2  }
0x36: {  	s31 =	sshll.u32 s1, $0xD;
	s1 =	sshrl.u32 s1, $0x2  }
0x37: {  	s3 =	sand.u32 $0x4000, s31;
	s1 =	sadd.s32 s1, s30  }
0x38: {  	s0 =	sor.u32 s3, s0;
	s1 =	sshll.u32 s1, $0x11  }
0x39: {  	s0 =	sor.u32 s1, s0  }
0x3a: {  	s0 =	sadd.s32 $0x8F2B, s0  }
0x3b: {  	[sflag:s0] =	ssyncadd.remote.s32 $0x1  }
0x3c: {  	_ =	sfence.sel $0xFFFF  }
0x3d: {  	[dreg:$0x0] =	wrdreg $0xFFFFFFFF;
	(pc) =	sbr.abs _section_cstart, $3  }
0x3e: {  	[dreg:$0x1] =	wrdreg $0xFFFFFFFF  }
0x3f: {  	_ =	task.clear_ibuf [dreg:s7], $0x2FFFF;
	_ =	strace $0x9FFFFFFF  }
0x40: {  	(tm) =	ssettm $0x7FFFFFFF  }
0x41: {  	_ =	shalt  }
tec
execute0_lowered:
.L_overlay_start_1:
0x0: {  	(tag) =	ssettag $0x1  }
0x1: {  	s4 =	rddreg [dreg:$0x0]  }
0x2: {  	s0 =	srdreg.scid;
	s2 =	rddreg [dreg:$0x1]  }
0x3: {  	s1 =	stileid.u32;
	s5 =	simm.s32 $0x1;
	s0 =	sshll.u32 s0, $0x4  }
0x4: {  	s7 =	simm.s32 $0x2;
	s11 =	simm.s32 $0x0;
	s3 =	sand.u32 $0x10, s0  }
.Ltmp0:
0x5: {  	p0 =	por $0x0, $0x0;
	s3 =	sor.u32 s1, s3;
	(pc) =	sbr.rel .LBB1_1-.Ltmp0, $4  }
0x6: {  	s8 =	simm.s32 $0x7A1400;
	s10 =	simm.s32 $0x0;
	s3 =	sshll.u32 s3, $0x7  }
0x7: {  	s0 =	rddreg [dreg:$0x2];
	_ =	strace $0x8000004A;
	s6 =	ssub.s32 $0xF4200, s3  }
0x8: {  	s4 =	sadd.s32 $0xC00, s4;
	[sflag:s5] =	ssyncpa.u1 $0x0;
	s6 =	sshrl.u32 s6, $0xC  }
0x9: {  	[sflag:s7] =	ssyncpa.u1 $0x0;
	s9 =	smov.u32 s3;
	s7 =	sadd.s32 $0x2, s6  }
.LBB1_5:
0xa: {  	s13 =	sadd.s32 $0x1000, s9  }
0xb: {  	p2 =	sgt.s32 s13, $0xF423F  }
0xc: {  	s13 =	smov.u32 @p2 s3;
	p2 =	sne.s32 s10, s7  }
.Ltmp1:
0xd: {  	p1 =	slt.u32 s10, $0x2;
	(pc) =	sbr.rel @!p2 .LBB1_6-.Ltmp1, $4  }
0xe: {  	s12 =	simm.s32 @!p1 $0x2  }
0xf: {  	s14 =	sadd.s32 $0x1, s10;
	_ =	swait.ge @!p1 [sflag:s12], $0x2000  }
0x10: {  	s11 =	smov.u32 s9;
	p0 =	por !p0, !p0;
	[sflag:s12] =	ssyncset.done @!p1 $0x0  }
0x11: {  	s10 =	smov.u32 s14;
	s9 =	smov.u32 s13;
	[sflag:s12] =	ssyncadd.s32 @!p1 $0xFFFFE000  }
.LBB1_1:
0x12: {  	p1 =	sgt.u32 s10, s6  }
0x13: {  	s13 =	smov.u32 s9;
	p2 =	sgt.s32 @!p1 s9, $0xF41C0  }
0x14: {  	s12 =	sand.u32 @!p1 $0x1FFFFFF, s9;
	s14 =	sshra.s32 @!p1 s9, $0x1F;
	p2 =	por !p2, p1  }
0x15: {  	s15 =	smulhi.u32 @!p1 $0x218DEF5, s12;
	s14 =	sand.u32 @!p1 s14, s9;
	s13 =	simm.s32 @p2 $0xF41C0  }
0x16: {  	s13 =	ssub.s32 @!p1 s13, s14  }
0x17: {  	s14 =	sshrl.u32 @!p1 s15, $0xD;
	s13 =	sadd.s32 @!p1 $0xFFF0BE40, s13  }
0x18: {  	s15 =	sxor.u32 @!p1 $0xFFFFFFFF, s10;
	s14 =	smul.u32 @!p1 $0xF4240, s14;
	s16 =	sshll.u32 @!p1 s13, $0x8  }
0x19: {  	s15 =	sshll.u32 @!p1 s15, $0xD;
	p2 =	sgt.s32 @!p1 s13, $0x7F;
	s13 =	ssub.s32 @!p1 $0x8000, s16  }
0x1a: {  	s12 =	ssub.s32 @!p1 s12, s14;
	p2 =	por !p2, p1;
	s14 =	sand.u32 @!p1 $0x2000, s15  }
0x1b: {  	s15 =	simm.s32 @!p1 $0x40;
	s13 =	sshrl.u32 @!p1 s13, $0x2;
	s12 =	sshll.u32 @!p1 s12, $0x4  }
0x1c: {  	s16 =	simm.s32 @!p1 $0x80;
	s13 =	simm.s32 @!p2 $0x0;
	s12 =	sadd.s32 @!p1 s4, s12  }
0x1d: {  	[tilespmem:s14], [sflag:$0x1] =	stream.strided.gather @!p1 [hbm4b:s12+s15], s13, s16, s15, $0x38;
	[tilespmem:$0x8080] =	vst v63  }
0x1e: {  	p1 =	seq.s32 s10, $0x0  }
0x1f: {  	p2 =	sge.u32 @!p1 s10, s7  }
0x20: {  	p1 =	por p1, p2  }
.Ltmp2:
0x21: {  	_ = 	snop;
	(pc) =	sbr.rel @p1 .LBB1_5-.Ltmp2, $1  }
0x22: {  	_ =	sdelay $0x3  }
0x23: {  	p1 =	sgt.s32 s11, $0xF41C0;
	s12 =	smov.u32 s11;
	s13 =	sshra.s32 s11, $0x1F  }
0x24: {  	s12 =	simm.s32 @!p1 $0xF41C0;
	s13 =	sand.u32 s13, s11  }
0x25: {  	s12 =	ssub.s32 s12, s13  }
0x26: {  	s12 =	sadd.s32 $0xFFF0BE40, s12  }
0x27: {  	s28 =	sshll.u32 s12, $0x8  }
0x28: {  	s13 =	ssub.s32 $0x8000, s28  }
0x29: {  	p1 =	sgt.s32 s12, $0x7F;
	s12 =	sshrl.u32 s13, $0x2  }
0x2a: {  	s13 =	simm.s32 $0x1;
	s12 =	simm.s32 @p1 $0x0  }
0x2b: {  	s13 =	simm.s32 @!p0 $0x0;
	_ =	swait.ge [sflag:s5], s12  }
0x2c: {  	s14 =	sshll.u32 s13, $0xD;
	s12 =	ssub.s32 $0x0, s12;
	[sflag:s5] =	ssyncset.done $0x0  }
0x2d: {  	s16 =	sor.u32 $0x20, s14;
	[sflag:s5] =	ssyncadd.s32 s12  }
0x2e: {  	s29 =	smul.u32 $0x8100, s13;
	v3 =	vld [tilespmem:s16+$0x10]  }
0x2f: {  	s30 =	sand.u32 $0x1, s10;
	v2 =	vld [tilespmem:s16+$0xFFFFFFF0]  }
0x30: {  	s13 =	smul.u32 $0x8100, s30;
	s12 =	sshrl.u32 s29, $0x2;
	v0 =	vld [tilespmem:s16+$0x0]  }
0x31: {  	s14 =	sor.u32 $0x4000, s12;
	v1 =	vld [tilespmem:s16+$0xFFFFFFE0]  }
0x32: {  	s31 =	sshrl.u32 s13, $0x2;
	s13 =	sadd.s32 $0x0, s14  }
0x33: {  	s15 =	simm.s32 $0x4;
	s12 =	sor.u32 $0x4000, s31;
	s16 =	sadd.s32 $0x40, s16;
	[tilespmem:s13+$0x1830 ss:$0x81] =	vst.msk $0xffff, v3  }
.LBB1_3:
0x34: {  	v3 =	vld [tilespmem:s16+$0x10];
	p1 =	sne.s32 s15, $0x1FC;
	[tilespmem:s13+$0x810 ss:$0x81] =	vst.msk $0xffff, v2;
	s17 =	smov.u32 s15;
	s15 =	sadd.s32 $0x4, s15  }
.Ltmp3:
0x35: {  	v2 =	vld [tilespmem:s16+$0xFFFFFFF0];
	[tilespmem:s13+$0x1020 ss:$0x81] =	vst.msk $0xffff, v0;
	(pc) =	sbr.rel @p1 .LBB1_3-.Ltmp3, $4  }
0x36: {  	v0 =	vld [tilespmem:s16+$0x0];
	[tilespmem:s13+$0x0 ss:$0x81] =	vst.msk $0xffff, v1  }
0x37: {  	s13 =	sshra.s32 s17, $0x2;
	v1 =	vld [tilespmem:s16+$0xFFFFFFE0]  }
0x38: {  	s13 =	sadd.s32 s13, s14  }
0x39: {  	s16 =	sadd.s32 $0x40, s16;
	[tilespmem:s13+$0x1830 ss:$0x81] =	vst.msk $0xffff, v3  }
0x3a: {  	s14 =	sshll.u32 s11, $0x3  }
0x3b: {  	s30 =	sand.u32 $0x7F, s11;
	s14 =	sand.u32 $0xFFFFFC00, s14  }
0x3c: {  	s11 =	sor.u32 s30, s14  }
0x3d: {  	s15 =	smulhi.u32 $0x218D6287, s11;
	_ =	sdelay $0x1  }
0x3e: {  	s14 =	smulhi.u32 $0x218D6287, s14;
	s15 =	sshrl.u32 s15, $0x11  }
0x3f: {  	s15 =	smul.u32 $0xF4280, s15  }
0x40: {  	s14 =	sshrl.u32 s14, $0x11  }
.Ltmp4:
0x41: {  	s14 =	sand.u32 $0x3F, s14;
	s11 =	ssub.s32 s11, s15;
	(pc) =	sbr.rel .LBB1_5-.Ltmp4, $4  }
0x42: {  	[tilespmem:s13+$0x810 ss:$0x81] =	vst.msk $0xffff, v2;
	s14 =	smul.u32 $0x1E850, s14;
	s15 =	sshrl.u32 s11, $0x3;
	s11 =	sand.u32 $0x7, s11  }
0x43: {  	[tilespmem:s13+$0x1020 ss:$0x81] =	vst.msk $0xffff, v0;
	s15 =	sadd.s32 s2, s15;
	s11 =	sshll.u32 s11, $0x12  }
0x44: {  	[tilespmem:s13+$0x0 ss:$0x81] =	vst.msk $0xffff, v1;
	s31 =	sadd.s32 s14, s15;
	s11 =	sor.u32 $0x400, s11  }
0x45: {  	[hbm4b:s31+s11] =	stream.strided.scatter [tilespmem:s12], [sflag:$0x2], $0x2000, s8, s11, $0x20;
	[tilespmem:$0x8080] =	vst v63  }
.LBB1_6:
0x46: {  	_ =	sfence.sel $0x180000  }
0x47: {  	s2 =	simm.s32 $0x1;
	[bflag:$0x0] =	sbarrier.arrive $0xFFFF  }
0x48: {  	s31 =	simm.s32 $0x2;
	[sflag:s2] =	ssyncpa.u1 $0x1  }
0x49: {  	[sflag:s31] =	ssyncpa.u1 $0x1  }
0x4a: {  	p0 =	sne.s32 s1, $0x0;
	_ =	strace $0x9000004A  }
0x4b: {  	s0 =	sadd.s32 @!p0 $0x100000, s0;
	[bflag:$0x2] =	sbarrier.arrive $0xFFFF  }
0x4c: {  	[sflag:s0] =	ssyncadd.tile.s32 @!p0 $0x1;
	_ =	shalt  }
.Lfunc_end1:
_tile_overlayer_lowered:
.L_overlay_start_2:
0x4d: {  	(tag) =	ssettag $0x2  }
0x4e: {  	s0 =	rddreg [dreg:$0x0];
	s2 =	stileid.u32  }
0x4f: {  	s1 =	rddreg [dreg:$0x1];
	p0 =	sne.s32 s2, $0x0  }
0x50: {  	s3 =	rddreg [dreg:$0x2];
	[bflag:$0x3] =	sbarrier.arrive $0xFFFF;
	s2 =	simm.s32 @!p0 $0x1C01  }
0x51: {  	[timem:s3], [sflag:s2] =	dma.local @!p0 [hbm:s0], s1  }
0x52: {  	s0 =	simm.s32 @!p0 $0x1  }
0x53: {  	_ =	swait.ge @!p0 [sflag:s0], s1  }
0x54: {  	s1 =	ssub.s32 @!p0 $0x0, s1;
	[sflag:s0] =	ssyncset.done @!p0 $0x0  }
0x55: {  	[sflag:s0] =	ssyncadd.s32 @!p0 s1  }
0x56: {  	[bflag:$0x3] =	sbarrier.arrive $0xFFFF  }
0x57: {  	_ =	shalt  }

</sc_bundles>
